<compile_context>
chip_gen: v7x
topology: tpu7x:2x2x1
jax: 0.10.2.dev20260603
libtpu: 0.0.44.dev20260713+nightly
codegen_flags: <defaults>
</compile_context>

<pallas_src>
import jax
import jax.numpy as jnp
from jax.experimental import pallas as pl
from jax.experimental.pallas import tpu as pltpu

N = 8192
TI = 1024
NI = N // TI


def _assd_kernel(pred_ref, realT_ref, out_ref, accrow_s, colmin_s):
    i = pl.program_id(0)

    p = pred_ref[...]
    rT = realT_ref[...]

    p2 = jnp.sum(p * p, axis=1, keepdims=True)
    r2 = jnp.sum(rT * rT, axis=0, keepdims=True)
    cross2 = jax.lax.dot_general(
        -2.0 * p, rT, (((1,), (0,)), ((), ())),
        preferred_element_type=jnp.float32)
    d2 = (cross2 + r2) + p2

    tile_rowmin = jnp.min(d2, axis=1, keepdims=True)
    tile_colmin = jnp.min(d2, axis=0, keepdims=True)
    row_nn = jnp.sqrt(jnp.maximum(tile_rowmin, 1e-12))

    @pl.when(i == 0)
    def _():
        accrow_s[...] = row_nn
        colmin_s[...] = tile_colmin

    @pl.when(i > 0)
    def _():
        accrow_s[...] = accrow_s[...] + row_nn
        colmin_s[...] = jnp.minimum(colmin_s[...], tile_colmin)

    @pl.when(i == NI - 1)
    def _():
        col_nn = jnp.sqrt(jnp.maximum(colmin_s[...], 1e-12))
        total_row = jnp.sum(accrow_s[...], keepdims=True)
        total_col = jnp.sum(col_nn, keepdims=True)
        out_ref[...] = (total_row + total_col) / (2.0 * N)


def kernel(real_pts, pred_pts):
    pred_pts = jnp.take(pred_pts, jnp.argsort(pred_pts[:, 0]), axis=0)
    real_pts = jnp.take(real_pts, jnp.argsort(real_pts[:, 0]), axis=0)
    realT = real_pts.T
    out = pl.pallas_call(
        _assd_kernel,
        grid=(NI,),
        in_specs=[
            pl.BlockSpec((TI, 3), lambda i: (i, 0)),
            pl.BlockSpec((3, N), lambda i: (0, 0)),
        ],
        out_specs=pl.BlockSpec((1, 1), lambda i: (0, 0)),
        out_shape=jax.ShapeDtypeStruct((1, 1), jnp.float32),
        scratch_shapes=[
            pltpu.VMEM((TI, 1), jnp.float32),
            pltpu.VMEM((1, N), jnp.float32),
        ],
    )(pred_pts, realT)
    return out[0, 0]

# --- scband reference (transcript-rebuilt; emitter-appended) ---
"""Pipeline reference for scband-asd-26491358282344 (READ-ONLY COPY).

The authoritative reference and input builder live on the scoring server;
editing this copy changes nothing except your own understanding.
"""

import jax, jax.numpy as jnp
import numpy as np


def setup_inputs(seed: int = 0) -> dict:
    key = jax.random.key(seed)
    k1, k2 = jax.random.split(key)
    # surface voxel coordinates of the ground-truth and predicted masks
    real_pts = jax.random.normal(k1, (8192, 3), dtype=jnp.float32) * 50.0
    pred_pts = jax.random.normal(k2, (8192, 3), dtype=jnp.float32) * 50.0
    return {"real_pts": real_pts, "pred_pts": pred_pts}


def _nn_dists(q, ref):
    # nearest-neighbor (1-NN) Euclidean distance from each query point in q
    # to the reference point set ref, equivalent to cKDTree(ref).query(q)[0]
    q2 = jnp.sum(q * q, axis=1, keepdims=True)          # [Nq, 1]
    r2 = jnp.sum(ref * ref, axis=1)                      # [Nr]
    d2 = q2 + r2[None, :] - 2.0 * (q @ ref.T)            # [Nq, Nr]
    d2 = jnp.maximum(d2, 1e-12)
    return jnp.sqrt(jnp.min(d2, axis=1))                 # [Nq]


def reference(real_pts, pred_pts):
    # pred2real_nn: distances from predicted surface voxels to GT surface
    pred2real_nn = _nn_dists(pred_pts, real_pts)
    # real2pred_nn: distances from GT surface voxels to predicted surface
    real2pred_nn = _nn_dists(real_pts, pred_pts)
    # Average Symmetric Surface Distance
    assd = (pred2real_nn.sum() + real2pred_nn.sum()) / (
        real_pts.shape[0] + pred_pts.shape[0]
    )
    return assd

if __name__ == "__main__":
    import jax
    _d = setup_inputs()
    print(jax.jit(kernel)(*tuple(_d.values())))

</pallas_src>

<mosaic_0001>
module attributes {stable_mosaic.version = 14 : i64} {
  func.func @_assd_kernel(%arg0: i32, %arg1: memref<1024x3xf32, #tpu.memory_space<vmem>>, %arg2: memref<3x8192xf32, #tpu.memory_space<vmem>>, %arg3: memref<1x1xf32, #tpu.memory_space<vmem>>, %arg4: memref<1024x1xf32, #tpu.memory_space<vmem>>, %arg5: memref<1x8192xf32, #tpu.memory_space<vmem>>) attributes {dimension_semantics = [#tpu.dimension_semantics<arbitrary>], iteration_bounds = array<i64: 8>, scalar_prefetch = 0 : i64, scratch_operands = 2 : i64, tpu.core_type = #tpu.core_type<tc>, window_params = [{transform_indices = @transform_0, window_bounds = array<i64: 1024, 3>}, {pipeline_mode = #tpu.pipeline_mode<synchronous>, transform_indices = @transform_1, window_bounds = array<i64: 3, 8192>}, {pipeline_mode = #tpu.pipeline_mode<synchronous>, transform_indices = @transform_2, window_bounds = array<i64: 1, 1>}]} {
    %get3A = arith.constant 0 : index
    %get3A_0 = arith.constant 0 : index
    %get3A_1 = vector.load %arg1[%get3A, %get3A_0] : memref<1024x3xf32, #tpu.memory_space<vmem>>, vector<1024x3xf32>
    %get3A_2 = arith.constant 0 : index
    %get3A_3 = arith.constant 0 : index
    %get3A_4 = vector.load %arg2[%get3A_2, %get3A_3] : memref<3x8192xf32, #tpu.memory_space<vmem>>, vector<3x8192xf32>
    %mul3A = arith.mulf %get3A_1, %get3A_1 : vector<1024x3xf32>
    %reduce_sum3A = arith.constant dense<0.000000e+00> : vector<1024xf32>
    %reduce_sum3A_5 = vector.multi_reduction <add>, %mul3A, %reduce_sum3A [1] : vector<1024x3xf32> to vector<1024xf32>
    %broadcast_in_dim3A = vector.shape_cast %reduce_sum3A_5 : vector<1024xf32> to vector<1024x1xf32>
    %mul3A_6 = arith.mulf %get3A_4, %get3A_4 : vector<3x8192xf32>
    %reduce_sum3A_7 = arith.constant dense<0.000000e+00> : vector<8192xf32>
    %reduce_sum3A_8 = vector.multi_reduction <add>, %mul3A_6, %reduce_sum3A_7 [0] : vector<3x8192xf32> to vector<8192xf32>
    %broadcast_in_dim3A_9 = vector.shape_cast %reduce_sum3A_8 : vector<8192xf32> to vector<1x8192xf32>
    %mul3A_10 = arith.constant -2.000000e+00 : f32
    %mul3A_11 = vector.broadcast %mul3A_10 : f32 to vector<1024x3xf32>
    %mul3A_12 = arith.mulf %mul3A_11, %get3A_1 : vector<1024x3xf32>
    %dot_general3A = arith.constant dense<0.000000e+00> : vector<1024x8192xf32>
    %dot_general3A_13 = tpu.matmul %mul3A_12, %get3A_4, %dot_general3A {dimension_numbers = #tpu.dot_dimension_numbers<[1], [0], [0], [1], [0, 0, 1, 1], [], []>, transpose_lhs_hint = false} : vector<1024x3xf32>, vector<3x8192xf32>, vector<1024x8192xf32> -> vector<1024x8192xf32>
    %add3A = vector.broadcast %broadcast_in_dim3A_9 : vector<1x8192xf32> to vector<1024x8192xf32>
    %add3A_14 = arith.addf %dot_general3A_13, %add3A : vector<1024x8192xf32>
    %add3A_15 = vector.broadcast %broadcast_in_dim3A : vector<1024x1xf32> to vector<1024x8192xf32>
    %add3A_16 = arith.addf %add3A_14, %add3A_15 : vector<1024x8192xf32>
    %reduce_min3A = arith.constant dense<0x7F800000> : vector<1024xf32>
    %reduce_min3A_17 = vector.multi_reduction <minimumf>, %add3A_16, %reduce_min3A [1] : vector<1024x8192xf32> to vector<1024xf32>
    %broadcast_in_dim3A_18 = vector.shape_cast %reduce_min3A_17 : vector<1024xf32> to vector<1024x1xf32>
    %reduce_min3A_19 = arith.constant dense<0x7F800000> : vector<8192xf32>
    %reduce_min3A_20 = vector.multi_reduction <minimumf>, %add3A_16, %reduce_min3A_19 [0] : vector<1024x8192xf32> to vector<8192xf32>
    %broadcast_in_dim3A_21 = vector.shape_cast %reduce_min3A_20 : vector<8192xf32> to vector<1x8192xf32>
    %max3A = arith.constant 9.99999996E-13 : f32
    %max3A_22 = vector.broadcast %max3A : f32 to vector<1024x1xf32>
    %max3A_23 = arith.maximumf %broadcast_in_dim3A_18, %max3A_22 : vector<1024x1xf32>
    %sqrt3A = math.sqrt %max3A_23 : vector<1024x1xf32>
    %eq3A = arith.constant 0 : i32
    %eq3A_24 = arith.cmpi eq, %arg0, %eq3A : i32
    %convert_element_type3A = arith.extui %eq3A_24 : i1 to i32
    %cond3A = arith.constant 0 : i32
    %cond3A_25 = arith.cmpi ne, %convert_element_type3A, %cond3A : i32
    scf.if %cond3A_25 {
      %swap3A = arith.constant 0 : index
      %swap3A_35 = arith.constant 0 : index
      %swap3A_36 = vector.load %arg4[%swap3A, %swap3A_35] : memref<1024x1xf32, #tpu.memory_space<vmem>>, vector<1024x1xf32>
      tpu.vector_store %arg4[%swap3A, %swap3A_35], %sqrt3A {strides = array<i32>} : memref<1024x1xf32, #tpu.memory_space<vmem>>, vector<1024x1xf32>,
      %swap3A_37 = arith.constant 0 : index
      %swap3A_38 = arith.constant 0 : index
      %swap3A_39 = vector.load %arg5[%swap3A_37, %swap3A_38] : memref<1x8192xf32, #tpu.memory_space<vmem>>, vector<1x8192xf32>
      tpu.vector_store %arg5[%swap3A_37, %swap3A_38], %broadcast_in_dim3A_21 {strides = array<i32>} : memref<1x8192xf32, #tpu.memory_space<vmem>>, vector<1x8192xf32>,
    } else {
    }
    %gt3A = arith.constant 0 : i32
    %gt3A_26 = arith.cmpi sgt, %arg0, %gt3A : i32
    %convert_element_type3A_27 = arith.extui %gt3A_26 : i1 to i32
    %cond3A_28 = arith.constant 0 : i32
    %cond3A_29 = arith.cmpi ne, %convert_element_type3A_27, %cond3A_28 : i32
    scf.if %cond3A_29 {
      %get3A_35 = arith.constant 0 : index
      %get3A_36 = arith.constant 0 : index
      %get3A_37 = vector.load %arg4[%get3A_35, %get3A_36] : memref<1024x1xf32, #tpu.memory_space<vmem>>, vector<1024x1xf32>
      %add3A_38 = arith.addf %get3A_37, %sqrt3A : vector<1024x1xf32>
      %swap3A = arith.constant 0 : index
      %swap3A_39 = arith.constant 0 : index
      %swap3A_40 = vector.load %arg4[%swap3A, %swap3A_39] : memref<1024x1xf32, #tpu.memory_space<vmem>>, vector<1024x1xf32>
      tpu.vector_store %arg4[%swap3A, %swap3A_39], %add3A_38 {strides = array<i32>} : memref<1024x1xf32, #tpu.memory_space<vmem>>, vector<1024x1xf32>,
      %get3A_41 = arith.constant 0 : index
      %get3A_42 = arith.constant 0 : index
      %get3A_43 = vector.load %arg5[%get3A_41, %get3A_42] : memref<1x8192xf32, #tpu.memory_space<vmem>>, vector<1x8192xf32>
      %min3A = arith.minimumf %get3A_43, %broadcast_in_dim3A_21 : vector<1x8192xf32>
      %swap3A_44 = arith.constant 0 : index
      %swap3A_45 = arith.constant 0 : index
      %swap3A_46 = vector.load %arg5[%swap3A_44, %swap3A_45] : memref<1x8192xf32, #tpu.memory_space<vmem>>, vector<1x8192xf32>
      tpu.vector_store %arg5[%swap3A_44, %swap3A_45], %min3A {strides = array<i32>} : memref<1x8192xf32, #tpu.memory_space<vmem>>, vector<1x8192xf32>,
    } else {
    }
    %eq3A_30 = arith.constant 7 : i32
    %eq3A_31 = arith.cmpi eq, %arg0, %eq3A_30 : i32
    %convert_element_type3A_32 = arith.extui %eq3A_31 : i1 to i32
    %cond3A_33 = arith.constant 0 : i32
    %cond3A_34 = arith.cmpi ne, %convert_element_type3A_32, %cond3A_33 : i32
    scf.if %cond3A_34 {
      %get3A_35 = arith.constant 0 : index
      %get3A_36 = arith.constant 0 : index
      %get3A_37 = vector.load %arg5[%get3A_35, %get3A_36] : memref<1x8192xf32, #tpu.memory_space<vmem>>, vector<1x8192xf32>
      %max3A_38 = arith.constant 9.99999996E-13 : f32
      %max3A_39 = vector.broadcast %max3A_38 : f32 to vector<1x8192xf32>
      %max3A_40 = arith.maximumf %get3A_37, %max3A_39 : vector<1x8192xf32>
      %sqrt3A_41 = math.sqrt %max3A_40 : vector<1x8192xf32>
      %get3A_42 = arith.constant 0 : index
      %get3A_43 = arith.constant 0 : index
      %get3A_44 = vector.load %arg4[%get3A_42, %get3A_43] : memref<1024x1xf32, #tpu.memory_space<vmem>>, vector<1024x1xf32>
      %reduce_sum3A_45 = vector.shape_cast %get3A_44 : vector<1024x1xf32> to vector<1x1024x1xf32>
      %reduce_sum3A_46 = arith.constant dense<0.000000e+00> : vector<1xf32>
      %reduce_sum3A_47 = vector.multi_reduction <add>, %reduce_sum3A_45, %reduce_sum3A_46 [1, 2] : vector<1x1024x1xf32> to vector<1xf32>
      %reduce_sum3A_48 = vector.shape_cast %reduce_sum3A_47 : vector<1xf32> to vector<1x1x1xf32>
      %reduce_sum3A_49 = vector.extract %reduce_sum3A_48[0, 0, 0] : f32 from vector<1x1x1xf32>
      %broadcast_in_dim3A_50 = vector.broadcast %reduce_sum3A_49 : f32 to vector<1x1xf32>
      %reduce_sum3A_51 = vector.shape_cast %sqrt3A_41 : vector<1x8192xf32> to vector<1x1x8192xf32>
      %reduce_sum3A_52 = arith.constant dense<0.000000e+00> : vector<1xf32>
      %reduce_sum3A_53 = vector.multi_reduction <add>, %reduce_sum3A_51, %reduce_sum3A_52 [1, 2] : vector<1x1x8192xf32> to vector<1xf32>
      %reduce_sum3A_54 = vector.shape_cast %reduce_sum3A_53 : vector<1xf32> to vector<1x1x1xf32>
      %reduce_sum3A_55 = vector.extract %reduce_sum3A_54[0, 0, 0] : f32 from vector<1x1x1xf32>
      %broadcast_in_dim3A_56 = vector.broadcast %reduce_sum3A_55 : f32 to vector<1x1xf32>
      %add3A_57 = arith.addf %broadcast_in_dim3A_50, %broadcast_in_dim3A_56 : vector<1x1xf32>
      %div3A = arith.constant 1.638400e+04 : f32
      %div3A_58 = vector.broadcast %div3A : f32 to vector<1x1xf32>
      %div3A_59 = arith.divf %add3A_57, %div3A_58 : vector<1x1xf32>
      %swap3A = arith.constant 0 : index
      %swap3A_60 = arith.constant 0 : index
      %swap3A_61 = vector.load %arg3[%swap3A, %swap3A_60] : memref<1x1xf32, #tpu.memory_space<vmem>>, vector<1x1xf32>
      tpu.vector_store %arg3[%swap3A, %swap3A_60], %div3A_59 {strides = array<i32>} : memref<1x1xf32, #tpu.memory_space<vmem>>, vector<1x1xf32>,
    } else {
    }
    return
  }
  func.func @transform_0(%arg0: i32) -> (i32, i32) {
    %c0_i32 = arith.constant 0 : i32
    %c0_i32_0 = arith.constant 0 : i32
    return %arg0, %c0_i32 : i32, i32
  }
  func.func @transform_1(%arg0: i32) -> (i32, i32) {
    %c0_i32 = arith.constant 0 : i32
    %c0_i32_0 = arith.constant 0 : i32
    %c0_i32_1 = arith.constant 0 : i32
    return %c0_i32, %c0_i32_0 : i32, i32
  }
  func.func @transform_2(%arg0: i32) -> (i32, i32) {
    %c0_i32 = arith.constant 0 : i32
    %c0_i32_0 = arith.constant 0 : i32
    %c0_i32_1 = arith.constant 0 : i32
    return %c0_i32, %c0_i32_0 : i32, i32
  }
}

</mosaic_0001>

<sc_bundles>
// kernel: gather_offload_async_start.1
scs
__scs_entry_jumppad:
0x0: {  	(pc) =	sbr.rel $0x88, $3  }
0x1: {  	(tag) =	ssettag $0x0;
	lr =	simm.s32 $0x1  }
0x2: {  	[smem:$0x3F9F] =	sst lr;
	_ =	strace $0xD0000000  }
0x3: {  	_ = 	snop  }
0x4: {  	_ = 	snop  }
0x5: {  	_ = 	snop  }
0x6: {  	_ = 	snop  }
0x7: {  	_ = 	snop  }
__scs_overlays_trampoline_lowered:
0x8: {  	[smem:$0x3FAE] =	sst s0  }
0x9: {  	[smem:$0x3FAF] =	sst s1  }
0xa: {  	[smem:$0x3FB0] =	sst s2  }
0xb: {  	[smem:$0x3FB1] =	sst s3  }
0xc: {  	[smem:$0x3FB2] =	sst s4  }
0xd: {  	[smem:$0x3FB3] =	sst s5  }
0xe: {  	[smem:$0x3FB4] =	sst s6  }
0xf: {  	[smem:$0x3FB5] =	sst s7  }
0x10: {  	[smem:$0x3FB6] =	sst s8  }
0x11: {  	[smem:$0x3FB7] =	sst s9;
	s0 =	simm.s32 @!p0 $0x0  }
0x12: {  	s1 =	sld [smem:$0x3F9D];
	s0 =	simm.s32 @p0 $0x1  }
0x13: {  	[smem:$0x3FB8] =	sst s0;
	s0 =	simm.s32 @!p1 $0x0  }
0x14: {  	s2 =	sld [smem:$0x3F9C];
	s0 =	simm.s32 @p1 $0x1  }
0x15: {  	[smem:$0x3FB9] =	sst s0;
	s0 =	simm.s32 @!p2 $0x0  }
0x16: {  	s3 =	sld [smem:$0x3FDB];
	s0 =	simm.s32 @p2 $0x1  }
0x17: {  	s4 =	simm.s32 $0x1BF5;
	[smem:$0x3FBB] =	sst s0  }
0x18: {  	s0 =	sld [smem:$0x3F9E];
	_ =	swait.ge [sflag:s4], $0x0  }
0x19: {  	s7 =	sld [smem:$0x3F9F]  }
0x1a: {  	s8 =	sadd.s32 $0xFFFFE003, lr  }
0x1b: {  	s9 =	sadd.s32 $0xFFFFFEF7, lr;
	s5 =	simm.s32 $0xFFFFFFFF;
	p2 =	slt.u32 s8, $0xFFFFF086  }
0x1c: {  	p1 =	slt.u32 s9, $0xF7A;
	s5 =	simm.s32 @!p2 $0x0  }
0x1d: {  	s5 =	simm.s32 @p1 $0x1;
	p0 =	seq.s32 s7, s2  }
0x1e: {  	s7 =	smul.u32 @!p0 $0xF7A, s2;
	p2 =	seq.s32 @!p0 s5, $0x0  }
0x1f: {  	s9 =	smul.u32 $0xF7A, s1;
	s8 =	simm.s32 @!p0 $0x1BF5;
	p2 =	por !p2, p0  }
0x20: {  	[sflag:s8] =	ssyncset.s32 @!p0 $0xFFFFF086;
	s6 =	sadd.s32 @!p0 s3, s7;
	s7 =	simm.s32 @!p0 $0x108  }
0x21: {  	s3 =	sadd.s32 s3, s9;
	s6 =	sadd.s32 @!p0 $0x88, s6;
	s7 =	simm.s32 @p2 $0x1082  }
0x22: {  	[simem:s7], [sflag:s8] =	dma.local @!p0 [hbm:s6], $0xF7A  }
0x23: {  	s9 =	sor.u32 $0xD0000000, s2;
	s6 =	simm.s32 $0x108;
	_ =	swait.ge @!p0 [sflag:s8], $0x0  }
0x24: {  	s3 =	sadd.s32 $0x88, s3;
	s6 =	simm.s32 @!p1 $0x1082;
	[sflag:s4] =	ssyncset.s32 $0xFFFFF086  }
0x25: {  	[simem:s6], [sflag:s4] =	dma.local [hbm:s3], $0xF7A  }
0x26: {  	[smem:$0x3F9F] =	sst s1;
	(tag) =	ssettag s2;
	_ =	strace s9  }
0x27: {  	s1 =	sld [smem:$0x3FAF]  }
0x28: {  	s2 =	sld [smem:$0x3FB0]  }
0x29: {  	s4 =	sld [smem:$0x3FB2]  }
0x2a: {  	p0 =	seq.s32 s5, $0x0;
	s5 =	sld [smem:$0x3FB3]  }
0x2b: {  	s6 =	sld [smem:$0x3FB4]  }
0x2c: {  	s7 =	sld [smem:$0x3FB5]  }
0x2d: {  	s3 =	simm.s32 $0x108;
	s8 =	sld [smem:$0x3FB6]  }
0x2e: {  	s3 =	simm.s32 @!p0 $0x1082;
	s9 =	sld [smem:$0x3FB7]  }
0x2f: {  	lr =	sadd.s32 s0, s3;
	s0 =	sld [smem:$0x3FAE]  }
0x30: {  	s3 =	sld [smem:$0x3FB1]  }
0x31: {  	[smem:$0x3FBA] =	sst s10  }
0x32: {  	s10 =	sld [smem:$0x3FB8];
	_ =	sdelay $0x3  }
0x33: {  	p0 =	seq.s32 s10, $0x1;
	s10 =	sld [smem:$0x3FBA];
	_ =	sdelay $0x3  }
0x34: {  	[smem:$0x3FBA] =	sst s10  }
0x35: {  	s10 =	sld [smem:$0x3FB9];
	_ =	sdelay $0x3  }
0x36: {  	p1 =	seq.s32 s10, $0x1;
	s10 =	sld [smem:$0x3FBA];
	_ =	sdelay $0x3  }
0x37: {  	[smem:$0x3FBA] =	sst s10  }
0x38: {  	s10 =	sld [smem:$0x3FBB]  }
0x39: {  	_ = 	snop;
	(pc) =	sbr.ind lr, $3  }
0x3a: {  	_ = 	snop  }
0x3b: {  	_ = 	snop  }
0x3c: {  	p2 =	seq.s32 s10, $0x1;
	s10 =	sld [smem:$0x3FBA]  }
0x3d: {  	_ =	shalt  }
0x3e: {  	_ =	shalt  }
0x3f: {  	_ =	shalt  }
0x40: {  	_ =	shalt  }
0x41: {  	_ =	shalt  }
0x42: {  	_ =	shalt  }
0x43: {  	_ =	shalt  }
0x44: {  	_ =	shalt  }
0x45: {  	_ =	shalt  }
0x46: {  	_ =	shalt  }
0x47: {  	_ =	shalt  }
0x48: {  	_ =	shalt  }
0x49: {  	_ =	shalt  }
0x4a: {  	_ =	shalt  }
0x4b: {  	_ =	shalt  }
0x4c: {  	_ =	shalt  }
0x4d: {  	_ =	shalt  }
0x4e: {  	_ =	shalt  }
0x4f: {  	_ =	shalt  }
0x50: {  	_ =	shalt  }
0x51: {  	_ =	shalt  }
0x52: {  	_ =	shalt  }
0x53: {  	_ =	shalt  }
0x54: {  	_ =	shalt  }
0x55: {  	_ =	shalt  }
0x56: {  	_ =	shalt  }
0x57: {  	_ =	shalt  }
0x58: {  	_ =	shalt  }
0x59: {  	_ =	shalt  }
0x5a: {  	_ =	shalt  }
0x5b: {  	_ =	shalt  }
0x5c: {  	_ =	shalt  }
0x5d: {  	_ =	shalt  }
0x5e: {  	_ =	shalt  }
0x5f: {  	_ =	shalt  }
0x60: {  	_ =	shalt  }
0x61: {  	_ =	shalt  }
0x62: {  	_ =	shalt  }
0x63: {  	_ =	shalt  }
0x64: {  	_ =	shalt  }
0x65: {  	_ =	shalt  }
0x66: {  	_ =	shalt  }
0x67: {  	_ =	shalt  }
0x68: {  	_ =	shalt  }
0x69: {  	_ =	shalt  }
0x6a: {  	_ =	shalt  }
0x6b: {  	_ =	shalt  }
0x6c: {  	_ =	shalt  }
0x6d: {  	_ =	shalt  }
0x6e: {  	_ =	shalt  }
0x6f: {  	_ =	shalt  }
0x70: {  	_ =	shalt  }
0x71: {  	_ =	shalt  }
0x72: {  	_ =	shalt  }
0x73: {  	_ =	shalt  }
0x74: {  	_ =	shalt  }
0x75: {  	_ =	shalt  }
0x76: {  	_ =	shalt  }
0x77: {  	_ =	shalt  }
0x78: {  	_ =	shalt  }
0x79: {  	_ =	shalt  }
0x7a: {  	_ =	shalt  }
0x7b: {  	_ =	shalt  }
0x7c: {  	_ =	shalt  }
0x7d: {  	_ =	shalt  }
0x7e: {  	_ =	shalt  }
0x7f: {  	_ =	shalt  }
0x80: {  	_ =	shalt  }
0x81: {  	_ =	shalt  }
0x82: {  	_ =	shalt  }
0x83: {  	_ =	shalt  }
0x84: {  	_ =	shalt  }
0x85: {  	_ =	shalt  }
0x86: {  	_ =	shalt  }
0x87: {  	_ =	shalt  }
.Lfunc_end0:
.L_simem_size_0:
called_computation.1_lowered:
.L_overlay_start_0:
0x88: {  	s2 =	sld [smem:$0x3FD9]  }
0x89: {  	s3 =	sld [smem:$0x3FFE];
	_ =	sdelay $0x1  }
0x8a: {  	s1 =	srdreg.scid  }
0x8b: {  	s0 =	sand.u32 $0x1, s1  }
0x8c: {  	s16 =	sshll.u32 s0, $0xA;
	s2 =	sadd.s32 s3, s2  }
0x8d: {  	s2 =	sadd.s32 s2, s16  }
0x8e: {  	[smem:$0x3FC6] =	sst s2  }
0x8f: {  	_ = 	snop  }
0x90: {  	(tm) =	ssettm $0x1  }
0x91: {  	s17 =	sld [smem:$0x3FFB];
	_ =	sdelay $0x3  }
0x92: {  	_ =	strace s17  }
0x93: {  	s2 =	sld [smem:$0x3FFC];
	_ =	sdelay $0x3  }
0x94: {  	_ =	strace s2  }
0x95: {  	s2 =	sld [smem:$0x3FFD];
	_ =	sdelay $0x3  }
0x96: {  	_ =	strace s2  }
0x97: {  	_ =	strace $0x8FFFFFFF  }
0x98: {  	s18 =	sld [smem:$0x3FDB];
	_ =	sdelay $0x1  }
0x99: {  	s19 =	simm.s32 $_scs_section_size  }
0x9a: {  	s4 =	simm.s32 $_size__tile_overlayer_lowered;
	s5 =	simm.s32 $_tile_overlayer_lowered  }
0x9b: {  	s22 =	simm.s32 $0x1BFF;
	s21 =	sshll.u32 s5, $0x1;
	s2 =	sadd.s32 s19, s18  }
0x9c: {  	s6 =	simm.s32 $0x0;
	s20 =	sshll.u32 s4, $0x1;
	s4 =	sadd.s32 s21, s2  }
0x9d: {  	[timem:s6], [sflag:s22] =	dma.local [hbm:s4], s20  }
0x9e: {  	_ =	swait.ge [sflag:s22], s20  }
0x9f: {  	s3 =	ssub.s32 $0x0, s20;
	[sflag:s22] =	ssyncset.done $0x0  }
0xa0: {  	[sflag:s22] =	ssyncadd.s32 s3;
	_ =	sdelay $0x1  }
0xa1: {  	s23 =	simm.s32 $0x1B8B  }
0xa2: {  	_ =	swait.ge [sflag:s23], $0x1  }
0xa3: {  	[sflag:s23] =	ssyncset.done $0x0  }
0xa4: {  	s25 =	simm.s32 $0x1B8E;
	s24 =	sld [smem:$0x3FFE];
	[sflag:s23] =	ssyncadd.s32 $0xFFFFFFFF  }
0xa5: {  	s26 =	simm.s32 $execute0_lowered;
	[smem:$0x3FD2] =	sst s25  }
0xa6: {  	s4 =	sshll.u32 s26, $0x1;
	_ =	strace $0x80000046;
	[dreg:$0x1] =	wrdreg $0xFFFFFFFF  }
0xa7: {  	s28 =	simm.s32 $_size_execute0_lowered;
	s2 =	sadd.s32 s2, s4;
	[dreg:$0x0] =	wrdreg $0x0  }
0xa8: {  	s4 =	sshll.u32 s28, $0x1;
	[dreg:$0x2] =	wrdreg s2  }
0xa9: {  	[dreg:$0x3] =	wrdreg s4  }
0xaa: {  	[dreg:$0x4] =	wrdreg $0xC0  }
0xab: {  	_ =	task [dreg:s6], $0x5FFFF  }
0xac: {  	[dreg:$0x1] =	wrdreg $0xFFFFFFFF  }
0xad: {  	[dreg:$0x0] =	wrdreg $0x60  }
0xae: {  	[dreg:$0x2] =	wrdreg s24  }
0xaf: {  	[dreg:$0x3] =	wrdreg $0x9  }
0xb0: {  	_ =	task.clear_ibuf [dreg:s6], $0x4FFFF;
	_ =	strace $0x90000046  }
0xb1: {  	s29 =	simm.s32 $0x9;
	_ =	strace $0x80000048  }
0xb2: {  	_ =	swait.ge [sflag:s29], $0x1  }
0xb3: {  	[sflag:s29] =	ssyncadd.s32 $0xFFFFFFFF  }
0xb4: {  	_ =	strace $0x90000048  }
0xb5: {  	_ =	sfence  }
0xb6: {  	s30 =	sld [smem:$0x0];
	_ =	sdelay $0x2  }
0xb7: {  	s31 =	sshll.u32 s1, $0xD;
	s1 =	sshrl.u32 s1, $0x2  }
0xb8: {  	s3 =	sand.u32 $0x4000, s31;
	s1 =	sadd.s32 s1, s30  }
0xb9: {  	s0 =	sor.u32 s3, s0;
	s1 =	sshll.u32 s1, $0x11  }
0xba: {  	s0 =	sor.u32 s1, s0  }
0xbb: {  	s0 =	sadd.s32 $0x8F2B, s0  }
0xbc: {  	[sflag:s0] =	ssyncadd.remote.s32 $0x1  }
0xbd: {  	_ =	sfence.sel $0xFFFF  }
0xbe: {  	[dreg:$0x0] =	wrdreg $0xFFFFFFFF;
	(pc) =	sbr.abs _section_cstart, $3  }
0xbf: {  	[dreg:$0x1] =	wrdreg $0xFFFFFFFF  }
0xc0: {  	_ =	task.clear_ibuf [dreg:s6], $0x2FFFF;
	_ =	strace $0x9FFFFFFF  }
0xc1: {  	(tm) =	ssettm $0x7FFFFFFF  }
tec
execute0_lowered:
.L_overlay_start_1:
0x0: {  	(tag) =	ssettag $0x1  }
0x1: {  	s7 =	rddreg [dreg:$0x0]  }
0x2: {  	s0 =	rddreg [dreg:$0x1];
	_ =	strace $0x80000047  }
0x3: {  	s1 =	srdreg.scid;
	s4 =	simm.s32 $0x1;
	s9 =	simm.s32 $0x3  }
0x4: {  	s12 =	simm.s32 $0x0;
	s10 =	simm.s32 $0x0;
	s5 =	sshll.u32 s1, $0x4  }
.Ltmp0:
0x5: {  	s1 =	stileid.u32;
	s5 =	sand.u32 $0x10, s5;
	(pc) =	sbr.rel .LBB2_1-.Ltmp0, $4  }
0x6: {  	s2 =	sadd.s32 $0x400, s7;
	s3 =	sadd.s32 $0x20400, s7;
	s6 =	sor.u32 s1, s5  }
0x7: {  	[sflag:s4] =	ssyncpa.u1 $0x0;
	s5 =	simm.s32 $0x2;
	s6 =	sshll.u32 s6, $0x8  }
0x8: {  	s7 =	sadd.s32 $0x20800, s7;
	[sflag:s5] =	ssyncpa.u1 $0x0;
	s8 =	sadd.s32 $0x100, s6  }
0x9: {  	vm0 =	vmmov $0xff;
	vm1 =	vcmask $0x3F20;
	[sflag:s9] =	ssyncpa.u1 $0x0;
	s9 =	simm.s32 $0x100;
	s11 =	smov.u32 s6  }
.LBB2_9:
0xa: {  	p0 =	seq.s32 s10, $0x2  }
.Ltmp1:
0xb: {  	_ = 	snop;
	(pc) =	sbr.rel @p0 .LBB2_11-.Ltmp1, $1  }
0xc: {  	_ =	sdelay $0x3  }
.LBB2_10:
0xd: {  	s12 =	sadd.s32 $0x100, s11  }
0xe: {  	s13 =	smov.u32 s6;
	p0 =	slt.s32 s12, s8  }
0xf: {  	s13 =	smov.u32 @p0 s12  }
0x10: {  	s10 =	sadd.s32 $0x1, s10;
	s12 =	smov.u32 s11;
	s11 =	smov.u32 s13  }
.LBB2_1:
0x11: {  	p0 =	sne.s32 s10, $0x0  }
.Ltmp2:
0x12: {  	_ = 	snop;
	(pc) =	sbr.rel @!p0 .LBB2_2-.Ltmp2, $1  }
0x13: {  	_ =	sdelay $0x3  }
0x14: {  	s13 =	sand.u32 $0x1, s10  }
0x15: {  	p0 =	seq.s32 s13, $0x0  }
.Ltmp3:
0x16: {  	_ = 	snop;
	(pc) =	sbr.rel @p0 .LBB2_9-.Ltmp3, $1  }
0x17: {  	_ =	sdelay $0x3  }
0x18: {  	_ =	swait.ge [sflag:s5], $0x100  }
0x19: {  	[sflag:s5] =	ssyncset.done $0x0  }
0x1a: {  	s13 =	simm.s32 $0x0;
	[sflag:s5] =	ssyncadd.s32 $0xFFFFFF00  }
0x1b: {  	v0 =	vld.msk [tilespmem:s13+$0x100 ss:$0x1], $0xffff;
	_ =	sdelay $0x4  }
0x1c: {  	vm2 =	vgt.s32 v0, $0x0  }
0x1d: {  	v0 =	vnsel vm2, $0x0, v0  }
0x1e: {  	v0 =	vmin.u32 v0, $0x1FFF  }
0x1f: {  	v0 =	vshll.u32 v0, $0x4;
	_ =	sdelay $0x3  }
0x20: {  	s13 =	simm.s32 $0x8200  }
0x21: {  	[tilespmem:s13], [sflag:$0x1] =	stream.indirect_vreg.gather [hbm:s2], $0x80, v0, vm0, $0x38;
	[tilespmem:$0x10200] =	vst v63  }
0x22: {  	s14 =	simm.s32 $0x8600;
	s31 =	simm.s32 $0x10  }
0x23: {  	[tilespmem:s14], [sflag:$0x1] =	stream.indirect_vreg.gather [hbm:s2], $0x80, v0, vm1, $0x38;
	[tilespmem:$0x10200] =	vst v63  }
0x24: {  	s14 =	simm.s32 $0x80;
	v0 =	vld.msk [tilespmem:s31+$0x100 ss:$0x1], $0xffff  }
.LBB2_5:
0x25: {  	p0 =	sne.s32 s14, $0x3C0;
	_ =	sdelay $0x4  }
0x26: {  	vm2 =	vgt.s32 v0, $0x0  }
0x27: {  	v0 =	vnsel vm2, $0x0, v0  }
0x28: {  	v0 =	vmin.u32 v0, $0x1FFF  }
0x29: {  	v0 =	vshll.u32 v0, $0x4;
	_ =	sdelay $0x3  }
.Ltmp4:
0x2a: {  	s13 =	sadd.s32 $0x800, s13;
	(pc) =	sbr.rel @p0 .LBB2_5-.Ltmp4, $4  }
0x2b: {  	[tilespmem:s13], [sflag:$0x1] =	stream.indirect_vreg.gather [hbm:s2], $0x80, v0, vm0, $0x38;
	[tilespmem:$0x10200] =	vst v63  }
0x2c: {  	s15 =	sshra.s32 s14, $0x2;
	s16 =	sadd.s32 $0x400, s13  }
0x2d: {  	[tilespmem:s16], [sflag:$0x1] =	stream.indirect_vreg.gather [hbm:s2], $0x80, v0, vm1, $0x38;
	[tilespmem:$0x10200] =	vst v63  }
0x2e: {  	s14 =	sadd.s32 $0x40, s14;
	v0 =	vld.msk [tilespmem:s15+$0x100 ss:$0x1], $0xffff  }
0x2f: {  	_ =	sdelay $0x3  }
0x30: {  	vm2 =	vgt.s32 v0, $0x0  }
0x31: {  	v0 =	vnsel vm2, $0x0, v0  }
0x32: {  	v0 =	vmin.u32 v0, $0x1FFF  }
0x33: {  	v0 =	vshll.u32 v0, $0x4;
	_ =	sdelay $0x3  }
0x34: {  	s13 =	sadd.s32 $0x800, s13  }
0x35: {  	[tilespmem:s13], [sflag:$0x1] =	stream.indirect_vreg.gather [hbm:s2], $0x80, v0, vm0, $0x38;
	[tilespmem:$0x10200] =	vst v63  }
0x36: {  	s13 =	sadd.s32 $0x400, s13  }
0x37: {  	[tilespmem:s13], [sflag:$0x1] =	stream.indirect_vreg.gather [hbm:s2], $0x80, v0, vm1, $0x38;
	[tilespmem:$0x10200] =	vst v63  }
0x38: {  	s12 =	sshll.u32 s12, $0x4;
	s14 =	simm.s32 $0x80;
	_ =	swait.ge [sflag:s4], $0x8000  }
0x39: {  	s15 =	simm.s32 $0x8600;
	s12 =	sadd.s32 s12, s7;
	[sflag:s4] =	ssyncset.done $0x0  }
0x3a: {  	s16 =	sadd.s32 $0x0, s12;
	s13 =	simm.s32 $0x8200;
	[sflag:s4] =	ssyncadd.s32 $0xFFFF8000  }
.LBB2_7:
0x3b: {  	[hbm:s16] =	stream.linear.scatter [tilespmem:s13], [sflag:$0x3], $0x400, $0x38;
	[tilespmem:$0x10200] =	vst v63  }
0x3c: {  	s16 =	smov.u32 s14;
	s13 =	smov.u32 s15;
	p0 =	sne.s32 s14, $0xF80  }
.Ltmp5:
0x3d: {  	s14 =	sadd.s32 $0x80, s14;
	(pc) =	sbr.rel @p0 .LBB2_7-.Ltmp5, $2  }
0x3e: {  	_ =	sdelay $0x2  }
0x3f: {  	s15 =	sadd.s32 $0x400, s15;
	s16 =	sadd.s32 s16, s12  }
.Ltmp6:
0x40: {  	(pc) =	sbr.rel .LBB2_9-.Ltmp6, $2  }
0x41: {  	_ =	sdelay $0x2  }
0x42: {  	[hbm:s16] =	stream.linear.scatter [tilespmem:s13], [sflag:$0x3], $0x400, $0x38;
	[tilespmem:$0x10200] =	vst v63  }
.LBB2_2:
.Ltmp7:
0x43: {  	(pc) =	sbr.rel .LBB2_10-.Ltmp7, $4  }
0x44: {  	_ = 	snop  }
0x45: {  	s12 =	sshrl.u32 s11, $0x3  }
0x46: {  	s13 =	sand.u32 $0x7, s11;
	s12 =	sadd.s32 s3, s12  }
0x47: {  	[tilespmem:s9], [sflag:$0x2] =	stream.linear.gather [hbm4b:s12+s13], $0x100, $0x38;
	[tilespmem:$0x10200] =	vst v63  }
.LBB2_11:
0x48: {  	s2 =	simm.s32 $0x3  }
0x49: {  	_ =	swait.ge [sflag:s2], $0x8000  }
0x4a: {  	[sflag:s2] =	ssyncset.done $0x0  }
0x4b: {  	[sflag:s2] =	ssyncadd.s32 $0xFFFF8000  }
0x4c: {  	_ =	sfence.sel $0x180000  }
0x4d: {  	s3 =	simm.s32 $0x2;
	[bflag:$0x0] =	sbarrier.arrive $0xFFFF  }
0x4e: {  	[sflag:s3] =	ssyncpa.u1 $0x1  }
0x4f: {  	s31 =	simm.s32 $0x1;
	[sflag:s2] =	ssyncpa.u1 $0x1  }
0x50: {  	[sflag:s31] =	ssyncpa.u1 $0x1  }
0x51: {  	p0 =	sne.s32 s1, $0x0;
	_ =	strace $0x90000047  }
0x52: {  	s0 =	sadd.s32 @!p0 $0x100000, s0;
	[bflag:$0x2] =	sbarrier.arrive $0xFFFF  }
0x53: {  	[sflag:s0] =	ssyncadd.tile.s32 @!p0 $0x1;
	_ =	shalt  }
.Lfunc_end2:
_tile_overlayer_lowered:
.L_overlay_start_2:
0x54: {  	(tag) =	ssettag $0x2  }
0x55: {  	s0 =	rddreg [dreg:$0x0];
	s2 =	stileid.u32  }
0x56: {  	s1 =	rddreg [dreg:$0x1];
	p0 =	sne.s32 s2, $0x0  }
0x57: {  	s3 =	rddreg [dreg:$0x2];
	[bflag:$0x3] =	sbarrier.arrive $0xFFFF;
	s2 =	simm.s32 @!p0 $0x1C01  }
0x58: {  	[timem:s3], [sflag:s2] =	dma.local @!p0 [hbm:s0], s1  }
0x59: {  	s0 =	simm.s32 @!p0 $0x1  }
0x5a: {  	_ =	swait.ge @!p0 [sflag:s0], s1  }
0x5b: {  	s1 =	ssub.s32 @!p0 $0x0, s1;
	[sflag:s0] =	ssyncset.done @!p0 $0x0  }
0x5c: {  	[sflag:s0] =	ssyncadd.s32 @!p0 s1  }
0x5d: {  	[bflag:$0x3] =	sbarrier.arrive $0xFFFF  }
0x5e: {  	_ =	shalt  }

// kernel: gather_offload_async_start
scs
__scs_entry_jumppad:
0x0: {  	(pc) =	sbr.rel $0x88, $3  }
0x1: {  	(tag) =	ssettag $0x0;
	lr =	simm.s32 $0x1  }
0x2: {  	[smem:$0x3F9F] =	sst lr;
	_ =	strace $0xD0000000  }
0x3: {  	_ = 	snop  }
0x4: {  	_ = 	snop  }
0x5: {  	_ = 	snop  }
0x6: {  	_ = 	snop  }
0x7: {  	_ = 	snop  }
__scs_overlays_trampoline_lowered:
0x8: {  	[smem:$0x3FAE] =	sst s0  }
0x9: {  	[smem:$0x3FAF] =	sst s1  }
0xa: {  	[smem:$0x3FB0] =	sst s2  }
0xb: {  	[smem:$0x3FB1] =	sst s3  }
0xc: {  	[smem:$0x3FB2] =	sst s4  }
0xd: {  	[smem:$0x3FB3] =	sst s5  }
0xe: {  	[smem:$0x3FB4] =	sst s6  }
0xf: {  	[smem:$0x3FB5] =	sst s7  }
0x10: {  	[smem:$0x3FB6] =	sst s8  }
0x11: {  	[smem:$0x3FB7] =	sst s9;
	s0 =	simm.s32 @!p0 $0x0  }
0x12: {  	s1 =	sld [smem:$0x3F9D];
	s0 =	simm.s32 @p0 $0x1  }
0x13: {  	[smem:$0x3FB8] =	sst s0;
	s0 =	simm.s32 @!p1 $0x0  }
0x14: {  	s2 =	sld [smem:$0x3F9C];
	s0 =	simm.s32 @p1 $0x1  }
0x15: {  	[smem:$0x3FB9] =	sst s0;
	s0 =	simm.s32 @!p2 $0x0  }
0x16: {  	s3 =	sld [smem:$0x3FDB];
	s0 =	simm.s32 @p2 $0x1  }
0x17: {  	s4 =	simm.s32 $0x1BF5;
	[smem:$0x3FBB] =	sst s0  }
0x18: {  	s0 =	sld [smem:$0x3F9E];
	_ =	swait.ge [sflag:s4], $0x0  }
0x19: {  	s7 =	sld [smem:$0x3F9F]  }
0x1a: {  	s8 =	sadd.s32 $0xFFFFE003, lr  }
0x1b: {  	s9 =	sadd.s32 $0xFFFFFEF7, lr;
	s5 =	simm.s32 $0xFFFFFFFF;
	p2 =	slt.u32 s8, $0xFFFFF086  }
0x1c: {  	p1 =	slt.u32 s9, $0xF7A;
	s5 =	simm.s32 @!p2 $0x0  }
0x1d: {  	s5 =	simm.s32 @p1 $0x1;
	p0 =	seq.s32 s7, s2  }
0x1e: {  	s7 =	smul.u32 @!p0 $0xF7A, s2;
	p2 =	seq.s32 @!p0 s5, $0x0  }
0x1f: {  	s9 =	smul.u32 $0xF7A, s1;
	s8 =	simm.s32 @!p0 $0x1BF5;
	p2 =	por !p2, p0  }
0x20: {  	[sflag:s8] =	ssyncset.s32 @!p0 $0xFFFFF086;
	s6 =	sadd.s32 @!p0 s3, s7;
	s7 =	simm.s32 @!p0 $0x108  }
0x21: {  	s3 =	sadd.s32 s3, s9;
	s6 =	sadd.s32 @!p0 $0x88, s6;
	s7 =	simm.s32 @p2 $0x1082  }
0x22: {  	[simem:s7], [sflag:s8] =	dma.local @!p0 [hbm:s6], $0xF7A  }
0x23: {  	s9 =	sor.u32 $0xD0000000, s2;
	s6 =	simm.s32 $0x108;
	_ =	swait.ge @!p0 [sflag:s8], $0x0  }
0x24: {  	s3 =	sadd.s32 $0x88, s3;
	s6 =	simm.s32 @!p1 $0x1082;
	[sflag:s4] =	ssyncset.s32 $0xFFFFF086  }
0x25: {  	[simem:s6], [sflag:s4] =	dma.local [hbm:s3], $0xF7A  }
0x26: {  	[smem:$0x3F9F] =	sst s1;
	(tag) =	ssettag s2;
	_ =	strace s9  }
0x27: {  	s1 =	sld [smem:$0x3FAF]  }
0x28: {  	s2 =	sld [smem:$0x3FB0]  }
0x29: {  	s4 =	sld [smem:$0x3FB2]  }
0x2a: {  	p0 =	seq.s32 s5, $0x0;
	s5 =	sld [smem:$0x3FB3]  }
0x2b: {  	s6 =	sld [smem:$0x3FB4]  }
0x2c: {  	s7 =	sld [smem:$0x3FB5]  }
0x2d: {  	s3 =	simm.s32 $0x108;
	s8 =	sld [smem:$0x3FB6]  }
0x2e: {  	s3 =	simm.s32 @!p0 $0x1082;
	s9 =	sld [smem:$0x3FB7]  }
0x2f: {  	lr =	sadd.s32 s0, s3;
	s0 =	sld [smem:$0x3FAE]  }
0x30: {  	s3 =	sld [smem:$0x3FB1]  }
0x31: {  	[smem:$0x3FBA] =	sst s10  }
0x32: {  	s10 =	sld [smem:$0x3FB8];
	_ =	sdelay $0x3  }
0x33: {  	p0 =	seq.s32 s10, $0x1;
	s10 =	sld [smem:$0x3FBA];
	_ =	sdelay $0x3  }
0x34: {  	[smem:$0x3FBA] =	sst s10  }
0x35: {  	s10 =	sld [smem:$0x3FB9];
	_ =	sdelay $0x3  }
0x36: {  	p1 =	seq.s32 s10, $0x1;
	s10 =	sld [smem:$0x3FBA];
	_ =	sdelay $0x3  }
0x37: {  	[smem:$0x3FBA] =	sst s10  }
0x38: {  	s10 =	sld [smem:$0x3FBB]  }
0x39: {  	_ = 	snop;
	(pc) =	sbr.ind lr, $3  }
0x3a: {  	_ = 	snop  }
0x3b: {  	_ = 	snop  }
0x3c: {  	p2 =	seq.s32 s10, $0x1;
	s10 =	sld [smem:$0x3FBA]  }
0x3d: {  	_ =	shalt  }
0x3e: {  	_ =	shalt  }
0x3f: {  	_ =	shalt  }
0x40: {  	_ =	shalt  }
0x41: {  	_ =	shalt  }
0x42: {  	_ =	shalt  }
0x43: {  	_ =	shalt  }
0x44: {  	_ =	shalt  }
0x45: {  	_ =	shalt  }
0x46: {  	_ =	shalt  }
0x47: {  	_ =	shalt  }
0x48: {  	_ =	shalt  }
0x49: {  	_ =	shalt  }
0x4a: {  	_ =	shalt  }
0x4b: {  	_ =	shalt  }
0x4c: {  	_ =	shalt  }
0x4d: {  	_ =	shalt  }
0x4e: {  	_ =	shalt  }
0x4f: {  	_ =	shalt  }
0x50: {  	_ =	shalt  }
0x51: {  	_ =	shalt  }
0x52: {  	_ =	shalt  }
0x53: {  	_ =	shalt  }
0x54: {  	_ =	shalt  }
0x55: {  	_ =	shalt  }
0x56: {  	_ =	shalt  }
0x57: {  	_ =	shalt  }
0x58: {  	_ =	shalt  }
0x59: {  	_ =	shalt  }
0x5a: {  	_ =	shalt  }
0x5b: {  	_ =	shalt  }
0x5c: {  	_ =	shalt  }
0x5d: {  	_ =	shalt  }
0x5e: {  	_ =	shalt  }
0x5f: {  	_ =	shalt  }
0x60: {  	_ =	shalt  }
0x61: {  	_ =	shalt  }
0x62: {  	_ =	shalt  }
0x63: {  	_ =	shalt  }
0x64: {  	_ =	shalt  }
0x65: {  	_ =	shalt  }
0x66: {  	_ =	shalt  }
0x67: {  	_ =	shalt  }
0x68: {  	_ =	shalt  }
0x69: {  	_ =	shalt  }
0x6a: {  	_ =	shalt  }
0x6b: {  	_ =	shalt  }
0x6c: {  	_ =	shalt  }
0x6d: {  	_ =	shalt  }
0x6e: {  	_ =	shalt  }
0x6f: {  	_ =	shalt  }
0x70: {  	_ =	shalt  }
0x71: {  	_ =	shalt  }
0x72: {  	_ =	shalt  }
0x73: {  	_ =	shalt  }
0x74: {  	_ =	shalt  }
0x75: {  	_ =	shalt  }
0x76: {  	_ =	shalt  }
0x77: {  	_ =	shalt  }
0x78: {  	_ =	shalt  }
0x79: {  	_ =	shalt  }
0x7a: {  	_ =	shalt  }
0x7b: {  	_ =	shalt  }
0x7c: {  	_ =	shalt  }
0x7d: {  	_ =	shalt  }
0x7e: {  	_ =	shalt  }
0x7f: {  	_ =	shalt  }
0x80: {  	_ =	shalt  }
0x81: {  	_ =	shalt  }
0x82: {  	_ =	shalt  }
0x83: {  	_ =	shalt  }
0x84: {  	_ =	shalt  }
0x85: {  	_ =	shalt  }
0x86: {  	_ =	shalt  }
0x87: {  	_ =	shalt  }
.Lfunc_end0:
.L_simem_size_0:
called_computation_lowered:
.L_overlay_start_0:
0x88: {  	s2 =	sld [smem:$0x3FD9]  }
0x89: {  	s3 =	sld [smem:$0x3FFE];
	_ =	sdelay $0x1  }
0x8a: {  	s1 =	srdreg.scid  }
0x8b: {  	s0 =	sand.u32 $0x1, s1  }
0x8c: {  	s16 =	sshll.u32 s0, $0xA;
	s2 =	sadd.s32 s3, s2  }
0x8d: {  	s2 =	sadd.s32 s2, s16  }
0x8e: {  	[smem:$0x3FC6] =	sst s2  }
0x8f: {  	_ = 	snop  }
0x90: {  	(tm) =	ssettm $0x1  }
0x91: {  	s17 =	sld [smem:$0x3FFB];
	_ =	sdelay $0x3  }
0x92: {  	_ =	strace s17  }
0x93: {  	s2 =	sld [smem:$0x3FFC];
	_ =	sdelay $0x3  }
0x94: {  	_ =	strace s2  }
0x95: {  	s2 =	sld [smem:$0x3FFD];
	_ =	sdelay $0x3  }
0x96: {  	_ =	strace s2  }
0x97: {  	_ =	strace $0x8FFFFFFF  }
0x98: {  	s18 =	sld [smem:$0x3FDB];
	_ =	sdelay $0x1  }
0x99: {  	s19 =	simm.s32 $_scs_section_size  }
0x9a: {  	s4 =	simm.s32 $_size__tile_overlayer_lowered;
	s5 =	simm.s32 $_tile_overlayer_lowered  }
0x9b: {  	s22 =	simm.s32 $0x1BFF;
	s21 =	sshll.u32 s5, $0x1;
	s2 =	sadd.s32 s19, s18  }
0x9c: {  	s6 =	simm.s32 $0x0;
	s20 =	sshll.u32 s4, $0x1;
	s4 =	sadd.s32 s21, s2  }
0x9d: {  	[timem:s6], [sflag:s22] =	dma.local [hbm:s4], s20  }
0x9e: {  	_ =	swait.ge [sflag:s22], s20  }
0x9f: {  	s3 =	ssub.s32 $0x0, s20;
	[sflag:s22] =	ssyncset.done $0x0  }
0xa0: {  	[sflag:s22] =	ssyncadd.s32 s3;
	_ =	sdelay $0x1  }
0xa1: {  	s23 =	simm.s32 $0x1B8B  }
0xa2: {  	_ =	swait.ge [sflag:s23], $0x1  }
0xa3: {  	[sflag:s23] =	ssyncset.done $0x0  }
0xa4: {  	s25 =	simm.s32 $0x1B8E;
	s24 =	sld [smem:$0x3FFE];
	[sflag:s23] =	ssyncadd.s32 $0xFFFFFFFF  }
0xa5: {  	s26 =	simm.s32 $execute0_lowered;
	[smem:$0x3FD2] =	sst s25  }
0xa6: {  	s4 =	sshll.u32 s26, $0x1;
	_ =	strace $0x80000049;
	[dreg:$0x1] =	wrdreg $0xFFFFFFFF  }
0xa7: {  	s28 =	simm.s32 $_size_execute0_lowered;
	s2 =	sadd.s32 s2, s4;
	[dreg:$0x0] =	wrdreg $0x0  }
0xa8: {  	s4 =	sshll.u32 s28, $0x1;
	[dreg:$0x2] =	wrdreg s2  }
0xa9: {  	[dreg:$0x3] =	wrdreg s4  }
0xaa: {  	[dreg:$0x4] =	wrdreg $0xC0  }
0xab: {  	_ =	task [dreg:s6], $0x5FFFF  }
0xac: {  	[dreg:$0x1] =	wrdreg $0xFFFFFFFF  }
0xad: {  	[dreg:$0x0] =	wrdreg $0x60  }
0xae: {  	[dreg:$0x2] =	wrdreg s24  }
0xaf: {  	[dreg:$0x3] =	wrdreg $0x9  }
0xb0: {  	_ =	task.clear_ibuf [dreg:s6], $0x4FFFF;
	_ =	strace $0x90000049  }
0xb1: {  	s29 =	simm.s32 $0x9;
	_ =	strace $0x8000004B  }
0xb2: {  	_ =	swait.ge [sflag:s29], $0x1  }
0xb3: {  	[sflag:s29] =	ssyncadd.s32 $0xFFFFFFFF  }
0xb4: {  	_ =	strace $0x9000004B  }
0xb5: {  	_ =	sfence  }
0xb6: {  	s30 =	sld [smem:$0x0];
	_ =	sdelay $0x2  }
0xb7: {  	s31 =	sshll.u32 s1, $0xD;
	s1 =	sshrl.u32 s1, $0x2  }
0xb8: {  	s3 =	sand.u32 $0x4000, s31;
	s1 =	sadd.s32 s1, s30  }
0xb9: {  	s0 =	sor.u32 s3, s0;
	s1 =	sshll.u32 s1, $0x11  }
0xba: {  	s0 =	sor.u32 s1, s0  }
0xbb: {  	s0 =	sadd.s32 $0x8F2B, s0  }
0xbc: {  	[sflag:s0] =	ssyncadd.remote.s32 $0x1  }
0xbd: {  	_ =	sfence.sel $0xFFFF  }
0xbe: {  	[dreg:$0x0] =	wrdreg $0xFFFFFFFF;
	(pc) =	sbr.abs _section_cstart, $3  }
0xbf: {  	[dreg:$0x1] =	wrdreg $0xFFFFFFFF  }
0xc0: {  	_ =	task.clear_ibuf [dreg:s6], $0x2FFFF;
	_ =	strace $0x9FFFFFFF  }
0xc1: {  	(tm) =	ssettm $0x7FFFFFFF  }
tec
execute0_lowered:
.L_overlay_start_1:
0x0: {  	(tag) =	ssettag $0x1  }
0x1: {  	s2 =	rddreg [dreg:$0x0]  }
0x2: {  	s0 =	rddreg [dreg:$0x1]  }
0x3: {  	s1 =	srdreg.scid;
	_ =	strace $0x8000004A;
	s4 =	simm.s32 $0x1  }
0x4: {  	s9 =	simm.s32 $0x3;
	s12 =	simm.s32 $0x0;
	s5 =	sshll.u32 s1, $0x4  }
.Ltmp0:
0x5: {  	s1 =	stileid.u32;
	s5 =	sand.u32 $0x10, s5;
	(pc) =	sbr.rel .LBB2_1-.Ltmp0, $4  }
0x6: {  	s10 =	simm.s32 $0x0;
	s3 =	sadd.s32 $0x40800, s2;
	s6 =	sor.u32 s1, s5  }
0x7: {  	[sflag:s4] =	ssyncpa.u1 $0x0;
	s5 =	simm.s32 $0x2;
	s6 =	sshll.u32 s6, $0x8  }
0x8: {  	s7 =	sadd.s32 $0x400, s2;
	[sflag:s5] =	ssyncpa.u1 $0x0;
	s8 =	sadd.s32 $0x100, s6  }
0x9: {  	vm0 =	vmmov $0xff;
	vm1 =	vcmask $0x3F20;
	[sflag:s9] =	ssyncpa.u1 $0x0;
	s9 =	simm.s32 $0x100;
	s11 =	smov.u32 s6  }
.LBB2_9:
0xa: {  	p0 =	seq.s32 s10, $0x2  }
.Ltmp1:
0xb: {  	_ = 	snop;
	(pc) =	sbr.rel @p0 .LBB2_11-.Ltmp1, $1  }
0xc: {  	_ =	sdelay $0x3  }
.LBB2_10:
0xd: {  	s12 =	sadd.s32 $0x100, s11  }
0xe: {  	s13 =	smov.u32 s6;
	p0 =	slt.s32 s12, s8  }
0xf: {  	s13 =	smov.u32 @p0 s12  }
0x10: {  	s10 =	sadd.s32 $0x1, s10;
	s12 =	smov.u32 s11;
	s11 =	smov.u32 s13  }
.LBB2_1:
0x11: {  	p0 =	sne.s32 s10, $0x0  }
.Ltmp2:
0x12: {  	_ = 	snop;
	(pc) =	sbr.rel @!p0 .LBB2_2-.Ltmp2, $1  }
0x13: {  	_ =	sdelay $0x3  }
0x14: {  	s13 =	sand.u32 $0x1, s10  }
0x15: {  	p0 =	seq.s32 s13, $0x0  }
.Ltmp3:
0x16: {  	_ = 	snop;
	(pc) =	sbr.rel @p0 .LBB2_9-.Ltmp3, $1  }
0x17: {  	_ =	sdelay $0x3  }
0x18: {  	_ =	swait.ge [sflag:s5], $0x100  }
0x19: {  	[sflag:s5] =	ssyncset.done $0x0  }
0x1a: {  	s13 =	simm.s32 $0x0;
	[sflag:s5] =	ssyncadd.s32 $0xFFFFFF00  }
0x1b: {  	v0 =	vld.msk [tilespmem:s13+$0x100 ss:$0x1], $0xffff;
	_ =	sdelay $0x4  }
0x1c: {  	vm2 =	vgt.s32 v0, $0x0  }
0x1d: {  	v0 =	vnsel vm2, $0x0, v0  }
0x1e: {  	v0 =	vmin.u32 v0, $0x1FFF  }
0x1f: {  	v0 =	vshll.u32 v0, $0x4;
	_ =	sdelay $0x3  }
0x20: {  	s13 =	simm.s32 $0x8200  }
0x21: {  	[tilespmem:s13], [sflag:$0x1] =	stream.indirect_vreg.gather [hbm:s3], $0x80, v0, vm0, $0x38;
	[tilespmem:$0x10200] =	vst v63  }
0x22: {  	s14 =	simm.s32 $0x8600;
	s31 =	simm.s32 $0x10  }
0x23: {  	[tilespmem:s14], [sflag:$0x1] =	stream.indirect_vreg.gather [hbm:s3], $0x80, v0, vm1, $0x38;
	[tilespmem:$0x10200] =	vst v63  }
0x24: {  	s14 =	simm.s32 $0x80;
	v0 =	vld.msk [tilespmem:s31+$0x100 ss:$0x1], $0xffff  }
.LBB2_5:
0x25: {  	p0 =	sne.s32 s14, $0x3C0;
	_ =	sdelay $0x4  }
0x26: {  	vm2 =	vgt.s32 v0, $0x0  }
0x27: {  	v0 =	vnsel vm2, $0x0, v0  }
0x28: {  	v0 =	vmin.u32 v0, $0x1FFF  }
0x29: {  	v0 =	vshll.u32 v0, $0x4;
	_ =	sdelay $0x3  }
.Ltmp4:
0x2a: {  	s13 =	sadd.s32 $0x800, s13;
	(pc) =	sbr.rel @p0 .LBB2_5-.Ltmp4, $4  }
0x2b: {  	[tilespmem:s13], [sflag:$0x1] =	stream.indirect_vreg.gather [hbm:s3], $0x80, v0, vm0, $0x38;
	[tilespmem:$0x10200] =	vst v63  }
0x2c: {  	s15 =	sshra.s32 s14, $0x2;
	s16 =	sadd.s32 $0x400, s13  }
0x2d: {  	[tilespmem:s16], [sflag:$0x1] =	stream.indirect_vreg.gather [hbm:s3], $0x80, v0, vm1, $0x38;
	[tilespmem:$0x10200] =	vst v63  }
0x2e: {  	s14 =	sadd.s32 $0x40, s14;
	v0 =	vld.msk [tilespmem:s15+$0x100 ss:$0x1], $0xffff  }
0x2f: {  	_ =	sdelay $0x3  }
0x30: {  	vm2 =	vgt.s32 v0, $0x0  }
0x31: {  	v0 =	vnsel vm2, $0x0, v0  }
0x32: {  	v0 =	vmin.u32 v0, $0x1FFF  }
0x33: {  	v0 =	vshll.u32 v0, $0x4;
	_ =	sdelay $0x3  }
0x34: {  	s13 =	sadd.s32 $0x800, s13  }
0x35: {  	[tilespmem:s13], [sflag:$0x1] =	stream.indirect_vreg.gather [hbm:s3], $0x80, v0, vm0, $0x38;
	[tilespmem:$0x10200] =	vst v63  }
0x36: {  	s13 =	sadd.s32 $0x400, s13  }
0x37: {  	[tilespmem:s13], [sflag:$0x1] =	stream.indirect_vreg.gather [hbm:s3], $0x80, v0, vm1, $0x38;
	[tilespmem:$0x10200] =	vst v63  }
0x38: {  	s12 =	sshll.u32 s12, $0x4;
	s14 =	simm.s32 $0x80;
	_ =	swait.ge [sflag:s4], $0x8000  }
0x39: {  	s15 =	simm.s32 $0x8600;
	s12 =	sadd.s32 s12, s7;
	[sflag:s4] =	ssyncset.done $0x0  }
0x3a: {  	s16 =	sadd.s32 $0x0, s12;
	s13 =	simm.s32 $0x8200;
	[sflag:s4] =	ssyncadd.s32 $0xFFFF8000  }
.LBB2_7:
0x3b: {  	[hbm:s16] =	stream.linear.scatter [tilespmem:s13], [sflag:$0x3], $0x400, $0x38;
	[tilespmem:$0x10200] =	vst v63  }
0x3c: {  	s16 =	smov.u32 s14;
	s13 =	smov.u32 s15;
	p0 =	sne.s32 s14, $0xF80  }
.Ltmp5:
0x3d: {  	s14 =	sadd.s32 $0x80, s14;
	(pc) =	sbr.rel @p0 .LBB2_7-.Ltmp5, $2  }
0x3e: {  	_ =	sdelay $0x2  }
0x3f: {  	s15 =	sadd.s32 $0x400, s15;
	s16 =	sadd.s32 s16, s12  }
.Ltmp6:
0x40: {  	(pc) =	sbr.rel .LBB2_9-.Ltmp6, $2  }
0x41: {  	_ =	sdelay $0x2  }
0x42: {  	[hbm:s16] =	stream.linear.scatter [tilespmem:s13], [sflag:$0x3], $0x400, $0x38;
	[tilespmem:$0x10200] =	vst v63  }
.LBB2_2:
.Ltmp7:
0x43: {  	(pc) =	sbr.rel .LBB2_10-.Ltmp7, $4  }
0x44: {  	_ = 	snop  }
0x45: {  	s12 =	sshrl.u32 s11, $0x3  }
0x46: {  	s13 =	sand.u32 $0x7, s11;
	s12 =	sadd.s32 s2, s12  }
0x47: {  	[tilespmem:s9], [sflag:$0x2] =	stream.linear.gather [hbm4b:s12+s13], $0x100, $0x38;
	[tilespmem:$0x10200] =	vst v63  }
.LBB2_11:
0x48: {  	s2 =	simm.s32 $0x3  }
0x49: {  	_ =	swait.ge [sflag:s2], $0x8000  }
0x4a: {  	[sflag:s2] =	ssyncset.done $0x0  }
0x4b: {  	[sflag:s2] =	ssyncadd.s32 $0xFFFF8000  }
0x4c: {  	_ =	sfence.sel $0x180000  }
0x4d: {  	s3 =	simm.s32 $0x2;
	[bflag:$0x0] =	sbarrier.arrive $0xFFFF  }
0x4e: {  	[sflag:s3] =	ssyncpa.u1 $0x1  }
0x4f: {  	s31 =	simm.s32 $0x1;
	[sflag:s2] =	ssyncpa.u1 $0x1  }
0x50: {  	[sflag:s31] =	ssyncpa.u1 $0x1  }
0x51: {  	p0 =	sne.s32 s1, $0x0;
	_ =	strace $0x9000004A  }
0x52: {  	s0 =	sadd.s32 @!p0 $0x100000, s0;
	[bflag:$0x2] =	sbarrier.arrive $0xFFFF  }
0x53: {  	[sflag:s0] =	ssyncadd.tile.s32 @!p0 $0x1;
	_ =	shalt  }
.Lfunc_end2:
_tile_overlayer_lowered:
.L_overlay_start_2:
0x54: {  	(tag) =	ssettag $0x2  }
0x55: {  	s0 =	rddreg [dreg:$0x0];
	s2 =	stileid.u32  }
0x56: {  	s1 =	rddreg [dreg:$0x1];
	p0 =	sne.s32 s2, $0x0  }
0x57: {  	s3 =	rddreg [dreg:$0x2];
	[bflag:$0x3] =	sbarrier.arrive $0xFFFF;
	s2 =	simm.s32 @!p0 $0x1C01  }
0x58: {  	[timem:s3], [sflag:s2] =	dma.local @!p0 [hbm:s0], s1  }
0x59: {  	s0 =	simm.s32 @!p0 $0x1  }
0x5a: {  	_ =	swait.ge @!p0 [sflag:s0], s1  }
0x5b: {  	s1 =	ssub.s32 @!p0 $0x0, s1;
	[sflag:s0] =	ssyncset.done @!p0 $0x0  }
0x5c: {  	[sflag:s0] =	ssyncadd.s32 @!p0 s1  }
0x5d: {  	[bflag:$0x3] =	sbarrier.arrive $0xFFFF  }
0x5e: {  	_ =	shalt  }

</sc_bundles>
